<compile_context>
chip_gen: v7x
topology: tpu7x:2x2x1
jax: 0.10.2.dev20260603
libtpu: 0.0.44.dev20260713+nightly
codegen_flags: <defaults>
</compile_context>

<pallas_src>
import functools
import numpy as np
import jax
import jax.numpy as jnp
from jax import lax
from jax.experimental import pallas as pl
from jax.experimental.pallas import tpu as pltpu
from jax.experimental.pallas import tpu_sc as plsc

N_LEVELS = 16
F = 2
BASE = 16
TARGET = 2048
LOG2_T = 19
T = 2 ** LOG2_T
DIM = 3
N_PTS = 131072
GRID_OUT = 64
HIDDEN = (GRID_OUT + 15) // 16 * 16
SCALE = np.exp2(np.log2(TARGET / BASE) / (N_LEVELS - 1))
RES = [int(np.floor(BASE * SCALE ** l)) for l in range(N_LEVELS)]
DENSE = [(r + 1) ** 3 <= T for r in RES]
P1, P2 = 2654435761, 805459861
ENC = N_LEVELS * F

NC, NS, LANES = 2, 16, 16
NW = NC * NS
PW = N_PTS // NW
CH = 16
NCHUNK = PW // CH
HBUF = 512
FLUSH_EVERY = HBUF // CH

TBL_ELEMS = N_LEVELS * T * F
RL_CHF = 16384
RL_SPAN = TBL_ELEMS // NW
RL_NCH = RL_SPAN // RL_CHF


def _relayout_body(tin_hbm, tout_hbm, binA, binB, boutA, boutB,
                   semiA, semiB, semoA, semoB):
    wid = lax.axis_index("s") * NC + lax.axis_index("c")
    base = wid * RL_SPAN
    iota = lax.iota(jnp.int32, LANES)

    def mk_in(k, buf, sem):
        return pltpu.make_async_copy(
            tin_hbm.at[pl.ds(base + k * RL_CHF, RL_CHF)], buf, sem)

    def mk_out(k, buf, sem):
        return pltpu.make_async_copy(
            buf, tout_hbm.at[pl.ds(base + k * RL_CHF, RL_CHF)], sem)

    def interleave(src, dst):
        def block(b, carry2):
            b256 = b * 256

            def eight(m, carry3):
                m16 = b256 + m * 16
                f0 = src[pl.ds(m16, LANES)]
                f1 = src[pl.ds(m16 + 128, LANES)]
                pos = b256 + m * 32 + 2 * iota
                plsc.store_scatter(dst, [pos], f0)
                plsc.store_scatter(dst, [pos + 1], f1)
                return carry3

            return lax.fori_loop(0, 8, eight, carry2)

        lax.fori_loop(0, RL_CHF // 256, block, 0)

    mk_in(0, binA, semiA).start()

    def pair(kk, carry):
        k0 = kk * 2
        mk_in(k0, binA, semiA).wait()
        mk_in(k0 + 1, binB, semiB).start()

        @pl.when(kk > 0)
        def _():
            mk_out(k0, boutA, semoA).wait()

        interleave(binA, boutA)
        mk_out(k0, boutA, semoA).start()

        mk_in(k0 + 1, binB, semiB).wait()

        @pl.when(kk + 1 < RL_NCH // 2)
        def _():
            mk_in(k0 + 2, binA, semiA).start()

        @pl.when(kk > 0)
        def _():
            mk_out(k0 + 1, boutB, semoB).wait()

        interleave(binB, boutB)
        mk_out(k0 + 1, boutB, semoB).start()
        return carry

    lax.fori_loop(0, RL_NCH // 2, pair, 0)
    mk_out(0, boutA, semoA).wait()
    mk_out(0, boutB, semoB).wait()


@jax.jit
def _relayout(tflat):
    mesh = plsc.VectorSubcoreMesh(core_axis_name="c", subcore_axis_name="s",
                                  num_cores=NC, num_subcores=NS)
    return pl.kernel(
        _relayout_body,
        out_type=jax.ShapeDtypeStruct((TBL_ELEMS,), jnp.float32),
        mesh=mesh,
        compiler_params=pltpu.CompilerParams(needs_layout_passes=False,
                                             use_tc_tiling_on_sc=False),
        scratch_types=[
            pltpu.VMEM((RL_CHF,), jnp.float32),
            pltpu.VMEM((RL_CHF,), jnp.float32),
            pltpu.VMEM((RL_CHF,), jnp.float32),
            pltpu.VMEM((RL_CHF,), jnp.float32),
            pltpu.SemaphoreType.DMA,
            pltpu.SemaphoreType.DMA,
            pltpu.SemaphoreType.DMA,
            pltpu.SemaphoreType.DMA,
        ],
    )(tflat)


N_STAGED = 2
STAGED_ROWS = [(RES[l] + 1) ** 3 * F // 8 + 8 for l in range(N_STAGED)]


def _make_encode_body(x_off, pw):
    nchunk = pw // CH

    def _encode_body(xt_hbm, table_hbm, h_hbm, xv, wb, colb, hbuf,
                     semA, semB, *lvl_scratch):
        nl = N_LEVELS
        idxsets = (lvl_scratch[:nl], lvl_scratch[nl:2 * nl])
        nr = nl - N_STAGED
        rowsets = (lvl_scratch[2 * nl:2 * nl + nr],
                   lvl_scratch[2 * nl + nr:2 * nl + 2 * nr])
        strefs = lvl_scratch[2 * nl + 2 * nr:]
        sems = (semA, semB)
        wid = lax.axis_index("s") * NC + lax.axis_index("c")
        base = wid * pw
        pltpu.sync_copy(xt_hbm.at[:, pl.ds(x_off + base, pw)], xv)
        for l in range(N_STAGED):
            pltpu.sync_copy(
                table_hbm.at[pl.ds(l * (T * F // 8), STAGED_ROWS[l])],
                strefs[l])
        iota = lax.iota(jnp.int32, LANES)

        def phase_a(k, si):
            idxrefs = idxsets[si]
            off = k * CH
            xc = xv[0, pl.ds(off, CH)]
            yc = xv[1, pl.ds(off, CH)]
            zc = xv[2, pl.ds(off, CH)]
            for l in range(N_LEVELS):
                res = RES[l]
                resf = float(res)
                px = xc * resf
                py = yc * resf
                pz = zc * resf
                ix = px.astype(jnp.int32)
                iy = py.astype(jnp.int32)
                iz = pz.astype(jnp.int32)
                fx = px - ix.astype(jnp.float32)
                fy = py - iy.astype(jnp.float32)
                fz = pz - iz.astype(jnp.float32)
                x0, x1 = ix, jnp.minimum(ix + 1, res)
                y0, y1 = iy, jnp.minimum(iy + 1, res)
                z0, z1 = iz, jnp.minimum(iz + 1, res)
                wx0, wx1 = 1.0 - fx, fx
                wy0, wy1 = 1.0 - fy, fy
                wz0, wz1 = 1.0 - fz, fz
                if not DENSE[l]:
                    hx0 = x0.astype(jnp.uint32)
                    hx1 = x1.astype(jnp.uint32)
                    hy0 = y0.astype(jnp.uint32) * jnp.uint32(P1)
                    hy1 = y1.astype(jnp.uint32) * jnp.uint32(P1)
                    hz0 = z0.astype(jnp.uint32) * jnp.uint32(P2)
                    hz1 = z1.astype(jnp.uint32) * jnp.uint32(P2)
                for c in range(8):
                    cxb, cyb, czb = c & 1, (c >> 1) & 1, (c >> 2) & 1
                    w = ((wx1 if cxb else wx0) * (wy1 if cyb else wy0)) * (wz1 if czb else wz0)
                    if DENSE[l]:
                        s = res + 1
                        idx = (x1 if cxb else x0) + (y1 if cyb else y0) * s \
                            + (z1 if czb else z0) * (s * s)
                        if l >= N_STAGED:
                            idx = idx + (l * T)
                    else:
                        h = (hx1 if cxb else hx0) ^ (hy1 if cyb else hy0) ^ (hz1 if czb else hz0)
                        idx = (h & jnp.uint32(T - 1)).astype(jnp.int32) + (l * T)
                    idxrefs[l][pl.ds(c * LANES, LANES)] = lax.shift_right_logical(idx, 2)
                    colb[si * N_LEVELS + l, pl.ds(c * LANES, LANES)] = (idx & 3) * 2
                    wb[si * N_LEVELS + l, pl.ds(c * LANES, LANES)] = w
            for l in range(N_STAGED, N_LEVELS):
                pltpu.make_async_copy(table_hbm.at[idxrefs[l]],
                                      rowsets[si][l - N_STAGED],
                                      sems[si]).start()

        def phase_b(k, si):
            idxrefs = idxsets[si]
            hcol = (k % FLUSH_EVERY) * CH
            for l in range(N_LEVELS):
                acc0 = jnp.zeros((LANES,), jnp.float32)
                acc1 = jnp.zeros((LANES,), jnp.float32)
                if l < N_STAGED:
                    src = strefs[l]
                else:
                    pltpu.make_async_copy(table_hbm.at[idxrefs[l]],
                                          rowsets[si][l - N_STAGED],
                                          sems[si]).wait()
                    src = rowsets[si][l - N_STAGED]
                for c in range(8):
                    w = wb[si * N_LEVELS + l, pl.ds(c * LANES, LANES)]
                    colv = colb[si * N_LEVELS + l, pl.ds(c * LANES, LANES)]
                    if l < N_STAGED:
                        rows = idxrefs[l][pl.ds(c * LANES, LANES)]
                    else:
                        rows = c * LANES + iota
                    f0 = plsc.load_gather(src, [rows, colv])
                    f1 = plsc.load_gather(src, [rows, colv + 1])
                    acc0 = acc0 + f0 * w
                    acc1 = acc1 + f1 * w
                rb, rr = (2 * l) // 8, (2 * l) % 8
                cb_loc = hcol // 128
                cc = hcol % 128
                hbuf[rb, cb_loc, rr, pl.ds(cc, CH)] = acc0
                hbuf[rb, cb_loc, rr + 1, pl.ds(cc, CH)] = acc1

            @pl.when(k % FLUSH_EVERY == FLUSH_EVERY - 1)
            def _():
                ob = pl.multiple_of(base + (k - (FLUSH_EVERY - 1)) * CH, HBUF)
                colblk0 = ob // 128
                for rb in range(ENC // 8):
                    pltpu.sync_copy(
                        hbuf.at[rb],
                        h_hbm.at[pl.ds(rb * (pw * NW // 128) + colblk0,
                                       HBUF // 128)])

        phase_a(0, 0)

        def pair(kk, carry):
            k0 = 2 * kk
            phase_a(k0 + 1, 1)
            phase_b(k0, 0)

            @pl.when(kk + 1 < nchunk // 2)
            def _():
                phase_a(k0 + 2, 0)

            phase_b(k0 + 1, 1)
            return carry

        lax.fori_loop(0, nchunk // 2, pair, 0)

    return _encode_body


N_HALF = N_PTS // 2
PW_HALF = N_HALF // NW


def _make_encode(x_off, pw, npts):
    body = _make_encode_body(x_off, pw)
    mesh = plsc.VectorSubcoreMesh(core_axis_name="c", subcore_axis_name="s",
                                  num_cores=NC, num_subcores=NS)

    @jax.jit
    def enc(xt, table8):
        return pl.kernel(
            body,
            out_type=jax.ShapeDtypeStruct((npts // 32, 8, 128), jnp.float32),
            mesh=mesh,
            compiler_params=pltpu.CompilerParams(needs_layout_passes=False,
                                                 use_tc_tiling_on_sc=False),
            scratch_types=(
                [
                    pltpu.VMEM((DIM, pw), jnp.float32),
                    pltpu.VMEM((2 * N_LEVELS, 8 * LANES), jnp.float32),
                    pltpu.VMEM((2 * N_LEVELS, 8 * LANES), jnp.int32),
                    pltpu.VMEM((ENC // 8, HBUF // 128, 8, 128), jnp.float32),
                    pltpu.SemaphoreType.DMA,
                    pltpu.SemaphoreType.DMA,
                ]
                + [pltpu.VMEM((8 * LANES,), jnp.int32)
                   for _ in range(2 * N_LEVELS)]
                + [pltpu.VMEM((8 * LANES, 8), jnp.float32)
                   for _ in range(2 * (N_LEVELS - N_STAGED))]
                + [pltpu.VMEM((STAGED_ROWS[l], 8), jnp.float32)
                   for l in range(N_STAGED)]
            ),
        )(xt, table8)

    return enc


_encode_full = _make_encode(0, PW, N_PTS)


BLK = 1024


def _mlp_body(h_ref, w0_ref, b0_ref, w1_ref, b1_ref, w2_ref, b2_ref, o_ref):
    h = h_ref[...]
    a = lax.dot_general(h, w0_ref[...], (((0,), (0,)), ((), ())),
                        preferred_element_type=jnp.float32)
    a = jnp.maximum(a + b0_ref[...], 0.0)
    a = jnp.dot(a, w1_ref[...], preferred_element_type=jnp.float32)
    a = jnp.maximum(a + b1_ref[...], 0.0)
    o_ref[...] = lax.dot_general(w2_ref[...], a, (((0,), (1,)), ((), ())),
                                 preferred_element_type=jnp.float32) + b2_ref[...]


@jax.jit
def _mlp(h, W0, b0, W1, b1, W2, b2):
    npts = h.shape[1]
    grid = (npts // BLK,)
    return pl.pallas_call(
        _mlp_body,
        grid=grid,
        in_specs=[
            pl.BlockSpec((ENC, BLK), lambda i: (0, i)),
            pl.BlockSpec((ENC, HIDDEN), lambda i: (0, 0)),
            pl.BlockSpec((1, HIDDEN), lambda i: (0, 0)),
            pl.BlockSpec((HIDDEN, HIDDEN), lambda i: (0, 0)),
            pl.BlockSpec((1, HIDDEN), lambda i: (0, 0)),
            pl.BlockSpec((HIDDEN, GRID_OUT), lambda i: (0, 0)),
            pl.BlockSpec((GRID_OUT, 1), lambda i: (0, 0)),
        ],
        out_specs=pl.BlockSpec((GRID_OUT, BLK), lambda i: (0, i)),
        out_shape=jax.ShapeDtypeStruct((GRID_OUT, npts), jnp.float32),
    )(h, W0, b0, W1, b1, W2, b2)


def kernel(x, table, W0, b0, W1, b1, W2, b2):
    xt = x.T
    tphys = (table.transpose(0, 2, 1)
             .reshape(N_LEVELS, F, T // 128, 128)
             .transpose(0, 2, 1, 3)
             .reshape(TBL_ELEMS))
    t8 = _relayout(tphys).reshape(TBL_ELEMS // 8, 8)
    h4 = _encode_full(xt, t8)
    h = (h4.reshape(ENC // 8, N_PTS // 128, 8, 128)
         .transpose(0, 2, 1, 3)
         .reshape(ENC, N_PTS))
    out_t = _mlp(h, W0, b0.reshape(1, -1), W1, b1.reshape(1, -1),
                 W2, b2.reshape(-1, 1))
    return out_t.T

# --- scband reference (transcript-rebuilt; emitter-appended) ---
"""Pipeline reference for scband-tcnnwith-mlp-9680856285272 (READ-ONLY COPY).

The authoritative reference and input builder live on the scoring server;
editing this copy changes nothing except your own understanding.
"""

import jax, jax.numpy as jnp
import numpy as np

N_LEVELS = 16
F = 2
BASE = 16
TARGET = 2048
LOG2_T = 19
T = 2 ** LOG2_T
DIM = 3
N_PTS = 131072
GRID_OUT = 64
HIDDEN = (GRID_OUT + 15) // 16 * 16
SCALE = np.exp2(np.log2(TARGET / BASE) / (N_LEVELS - 1))
RES = [int(np.floor(BASE * SCALE ** l)) for l in range(N_LEVELS)]
PRIMES = [1, 2654435761, 805459861]


def hash_encode(x, table):
    # x: [N, 3] in [0,1); table: [n_levels, T, F]
    outs = []
    for l in range(N_LEVELS):
        res = RES[l]
        pos = x * res
        pos0f = jnp.floor(pos)
        frac = pos - pos0f
        pos0 = pos0f.astype(jnp.int32)
        feats = jnp.zeros((x.shape[0], F), dtype=table.dtype)
        dense = (res + 1) ** 3 <= T
        for c in range(8):
            offs = jnp.array([(c >> 0) & 1, (c >> 1) & 1, (c >> 2) & 1], dtype=jnp.int32)
            corner = jnp.clip(pos0 + offs[None, :], 0, res)
            if dense:
                idx = corner[:, 0] + corner[:, 1] * (res + 1) + corner[:, 2] * (res + 1) ** 2
            else:
                cu = corner.astype(jnp.uint32)
                h = (cu[:, 0] * jnp.uint32(PRIMES[0])) ^ (cu[:, 1] * jnp.uint32(PRIMES[1])) ^ (cu[:, 2] * jnp.uint32(PRIMES[2]))
                idx = (h % jnp.uint32(T)).astype(jnp.int32)
            w = jnp.prod(jnp.where(offs[None, :] == 1, frac, 1.0 - frac), axis=1)
            feats = feats + jnp.take(table[l], idx, axis=0) * w[:, None]
        outs.append(feats)
    return jnp.concatenate(outs, axis=-1)


def mlp(h, W0, b0, W1, b1, W2, b2):
    h = jax.nn.relu(h @ W0 + b0)
    h = jax.nn.relu(h @ W1 + b1)
    return h @ W2 + b2


def setup_inputs(seed: int = 0) -> dict:
    key = jax.random.key(seed)
    ks = jax.random.split(key, 8)
    enc_dim = N_LEVELS * F
    x = jax.random.uniform(ks[0], (N_PTS, DIM), dtype=jnp.float32)
    table = jax.random.uniform(ks[1], (N_LEVELS, T, F), dtype=jnp.float32, minval=-1e-4, maxval=1e-4)
    W0 = jax.random.normal(ks[2], (enc_dim, HIDDEN), dtype=jnp.float32) * (1.0 / np.sqrt(enc_dim))
    b0 = jnp.zeros((HIDDEN,), dtype=jnp.float32)
    W1 = jax.random.normal(ks[3], (HIDDEN, HIDDEN), dtype=jnp.float32) * (1.0 / np.sqrt(HIDDEN))
    b1 = jnp.zeros((HIDDEN,), dtype=jnp.float32)
    W2 = jax.random.normal(ks[4], (HIDDEN, GRID_OUT), dtype=jnp.float32) * (1.0 / np.sqrt(HIDDEN))
    b2 = jnp.zeros((GRID_OUT,), dtype=jnp.float32)
    return {"x": x, "table": table, "W0": W0, "b0": b0, "W1": W1, "b1": b1, "W2": W2, "b2": b2}


def reference(x, table, W0, b0, W1, b1, W2, b2):
    h = hash_encode(x, table)
    return mlp(h, W0, b0, W1, b1, W2, b2)

if __name__ == "__main__":
    import jax
    _d = setup_inputs()
    print(jax.jit(kernel)(*tuple(_d.values())))

</pallas_src>

<mosaic_0001>
#map = affine_map<(d0, d1) -> (0)>
module attributes {stable_mosaic.version = 14 : i64} {
  func.func @_relayout_body(%arg0: i32, %arg1: i32, %arg2: memref<16777216xf32, #tpu.memory_space<hbm>>, %arg3: memref<16777216xf32, #tpu.memory_space<hbm>>, %arg4: memref<16384xf32, #tpu.memory_space<vmem>>, %arg5: memref<16384xf32, #tpu.memory_space<vmem>>, %arg6: memref<16384xf32, #tpu.memory_space<vmem>>, %arg7: memref<16384xf32, #tpu.memory_space<vmem>>, %arg8: memref<!tpu.dma_semaphore, #tpu.memory_space<semaphore_mem>>, %arg9: memref<!tpu.dma_semaphore, #tpu.memory_space<semaphore_mem>>, %arg10: memref<!tpu.dma_semaphore, #tpu.memory_space<semaphore_mem>>, %arg11: memref<!tpu.dma_semaphore, #tpu.memory_space<semaphore_mem>>) attributes {dimension_semantics = [#tpu.dimension_semantics<core_parallel>, #tpu.dimension_semantics<subcore_parallel>], iteration_bounds = array<i64: 2, 16>, scalar_prefetch = 0 : i64, scratch_operands = 8 : i64, tpu.core_type = #tpu.core_type<sc_vector_subcore>, window_params = [{transform_indices = #map}, {transform_indices = #map}]} {
    %mul3A = arith.constant 2 : i32
    %mul3A_0 = arith.muli %arg1, %mul3A : i32
    %add3A = arith.addi %mul3A_0, %arg0 : i32
    %mul3A_1 = arith.constant 524288 : i32
    %mul3A_2 = arith.muli %add3A, %mul3A_1 : i32
    %iota3A = tpu.iota {dimensions = array<i32: 0>} : vector<16xi32>
    %add3A_3 = arith.constant 0 : i32
    %add3A_4 = arith.addi %mul3A_2, %add3A_3 : i32
    %dma_start3A = tpu.memref_slice %arg2[%add3A_4] : memref<16777216xf32, #tpu.memory_space<hbm>> -> memref<16384xf32, #tpu.memory_space<hbm>>
    %dma_start3A_5 = tpu.memref_slice %arg2[%add3A_4] : memref<16777216xf32, #tpu.memory_space<hbm>> -> memref<16384xf32, #tpu.memory_space<hbm>>
    tpu.enqueue_dma source(%dma_start3A_5 : memref<16384xf32, #tpu.memory_space<hbm>>) target(%arg4 : memref<16384xf32, #tpu.memory_space<vmem>>) target_semaphore(%arg8 : memref<!tpu.dma_semaphore, #tpu.memory_space<semaphore_mem>>)
    %scan3A = arith.constant 0 : i32
    %scan3A_6 = arith.constant 0 : i32
    %scan3A_7 = arith.constant 16 : i32
    %scan3A_8 = arith.addi %scan3A_6, %scan3A_7 : i32
    %scan3A_9 = arith.constant 1 : i32
    scf.for %scan3A_18 = %scan3A_6 to %scan3A_8 step %scan3A_9  : i32 {
      %mul3A_19 = arith.constant 2 : i32
      %mul3A_20 = arith.muli %scan3A_18, %mul3A_19 : i32
      %mul3A_21 = arith.constant 16384 : i32
      %mul3A_22 = arith.muli %mul3A_20, %mul3A_21 : i32
      %add3A_23 = arith.addi %mul3A_2, %mul3A_22 : i32
      %dma_wait3A_24 = tpu.memref_slice %arg2[%add3A_23] : memref<16777216xf32, #tpu.memory_space<hbm>> -> memref<16384xf32, #tpu.memory_space<hbm>>
      %dma_wait3A_25 = tpu.memref_slice %arg2[%add3A_23] : memref<16777216xf32, #tpu.memory_space<hbm>> -> memref<16384xf32, #tpu.memory_space<hbm>>
      tpu.wait_dma2 semaphore(%arg8 : memref<!tpu.dma_semaphore, #tpu.memory_space<semaphore_mem>>) src(%dma_wait3A_25 : memref<16384xf32, #tpu.memory_space<hbm>>) dst(%arg4 : memref<16384xf32, #tpu.memory_space<vmem>>)
      %add3A_26 = arith.constant 1 : i32
      %add3A_27 = arith.addi %mul3A_20, %add3A_26 : i32
      %mul3A_28 = arith.constant 16384 : i32
      %mul3A_29 = arith.muli %add3A_27, %mul3A_28 : i32
      %add3A_30 = arith.addi %mul3A_2, %mul3A_29 : i32
      %dma_start3A_31 = tpu.memref_slice %arg2[%add3A_30] : memref<16777216xf32, #tpu.memory_space<hbm>> -> memref<16384xf32, #tpu.memory_space<hbm>>
      %dma_start3A_32 = tpu.memref_slice %arg2[%add3A_30] : memref<16777216xf32, #tpu.memory_space<hbm>> -> memref<16384xf32, #tpu.memory_space<hbm>>
      tpu.enqueue_dma source(%dma_start3A_32 : memref<16384xf32, #tpu.memory_space<hbm>>) target(%arg5 : memref<16384xf32, #tpu.memory_space<vmem>>) target_semaphore(%arg9 : memref<!tpu.dma_semaphore, #tpu.memory_space<semaphore_mem>>)
      %gt3A = arith.constant 0 : i32
      %gt3A_33 = arith.cmpi sgt, %scan3A_18, %gt3A : i32
      %convert_element_type3A = arith.extui %gt3A_33 : i1 to i32
      %cond3A = arith.constant 0 : i32
      %cond3A_34 = arith.cmpi ne, %convert_element_type3A, %cond3A : i32
      scf.if %cond3A_34 {
        %mul3A_77 = arith.constant 16384 : i32
        %mul3A_78 = arith.muli %mul3A_20, %mul3A_77 : i32
        %add3A_79 = arith.addi %mul3A_2, %mul3A_78 : i32
        %dma_wait3A_80 = tpu.memref_slice %arg3[%add3A_79] : memref<16777216xf32, #tpu.memory_space<hbm>> -> memref<16384xf32, #tpu.memory_space<hbm>>
        %dma_wait3A_81 = tpu.memref_slice %arg3[%add3A_79] : memref<16777216xf32, #tpu.memory_space<hbm>> -> memref<16384xf32, #tpu.memory_space<hbm>>
        tpu.wait_dma2 semaphore(%arg10 : memref<!tpu.dma_semaphore, #tpu.memory_space<semaphore_mem>>) src(%arg6 : memref<16384xf32, #tpu.memory_space<vmem>>) dst(%dma_wait3A_81 : memref<16384xf32, #tpu.memory_space<hbm>>)
      } else {
      }
      %scan3A_35 = arith.constant 0 : i32
      %scan3A_36 = arith.constant 0 : i32
      %scan3A_37 = arith.constant 64 : i32
      %scan3A_38 = arith.addi %scan3A_36, %scan3A_37 : i32
      %scan3A_39 = arith.constant 1 : i32
      scf.for %scan3A_77 = %scan3A_36 to %scan3A_38 step %scan3A_39  : i32 {
        %mul3A_78 = arith.constant 256 : i32
        %mul3A_79 = arith.muli %scan3A_77, %mul3A_78 : i32
        %scan3A_80 = arith.constant 0 : i32
        %scan3A_81 = arith.constant 8 : i32
        %scan3A_82 = arith.addi %scan3A_80, %scan3A_81 : i32
        %scan3A_83 = arith.constant 1 : i32
        scf.for %scan3A_85 = %scan3A_80 to %scan3A_82 step %scan3A_83  : i32 {
          %mul3A_86 = arith.constant 16 : i32
          %mul3A_87 = arith.muli %scan3A_85, %mul3A_86 : i32
          %add3A_88 = arith.addi %mul3A_79, %mul3A_87 : i32
          %get3A = arith.index_cast %add3A_88 : i32 to index
          %get3A_89 = tpu.vector_load %arg4[%get3A] {strides = array<i32>} : memref<16384xf32, #tpu.memory_space<vmem>>, vector<16xf32>,
          %add3A_90 = arith.constant 128 : i32
          %add3A_91 = arith.addi %add3A_88, %add3A_90 : i32
          %get3A_92 = arith.index_cast %add3A_91 : i32 to index
          %get3A_93 = tpu.vector_load %arg4[%get3A_92] {strides = array<i32>} : memref<16384xf32, #tpu.memory_space<vmem>>, vector<16xf32>,
          %mul3A_94 = arith.constant 32 : i32
          %mul3A_95 = arith.muli %scan3A_85, %mul3A_94 : i32
          %add3A_96 = arith.addi %mul3A_79, %mul3A_95 : i32
          %mul3A_97 = arith.constant 2 : i32
          %mul3A_98 = vector.broadcast %mul3A_97 : i32 to vector<16xi32>
          %mul3A_99 = arith.muli %mul3A_98, %iota3A : vector<16xi32>
          %add3A_100 = vector.broadcast %add3A_96 : i32 to vector<16xi32>
          %add3A_101 = arith.addi %add3A_100, %mul3A_99 : vector<16xi32>
          tpu.vector_store_idx %arg6[%add3A_101], %get3A_89 : memref<16384xf32, #tpu.memory_space<vmem>>[vector<16xi32>], vector<16xf32>,
          %add3A_102 = arith.constant 1 : i32
          %add3A_103 = vector.broadcast %add3A_102 : i32 to vector<16xi32>
          %add3A_104 = arith.addi %add3A_101, %add3A_103 : vector<16xi32>
          tpu.vector_store_idx %arg6[%add3A_104], %get3A_93 : memref<16384xf32, #tpu.memory_space<vmem>>[vector<16xi32>], vector<16xf32>,
        }
        %scan3A_84 = arith.constant 8 : i32
      }
      %scan3A_40 = arith.constant 64 : i32
      %mul3A_41 = arith.constant 16384 : i32
      %mul3A_42 = arith.muli %mul3A_20, %mul3A_41 : i32
      %add3A_43 = arith.addi %mul3A_2, %mul3A_42 : i32
      %dma_start3A_44 = tpu.memref_slice %arg3[%add3A_43] : memref<16777216xf32, #tpu.memory_space<hbm>> -> memref<16384xf32, #tpu.memory_space<hbm>>
      %dma_start3A_45 = tpu.memref_slice %arg3[%add3A_43] : memref<16777216xf32, #tpu.memory_space<hbm>> -> memref<16384xf32, #tpu.memory_space<hbm>>
      tpu.enqueue_dma source(%arg6 : memref<16384xf32, #tpu.memory_space<vmem>>) target(%dma_start3A_45 : memref<16384xf32, #tpu.memory_space<hbm>>) target_semaphore(%arg10 : memref<!tpu.dma_semaphore, #tpu.memory_space<semaphore_mem>>)
      %add3A_46 = arith.constant 1 : i32
      %add3A_47 = arith.addi %mul3A_20, %add3A_46 : i32
      %mul3A_48 = arith.constant 16384 : i32
      %mul3A_49 = arith.muli %add3A_47, %mul3A_48 : i32
      %add3A_50 = arith.addi %mul3A_2, %mul3A_49 : i32
      %dma_wait3A_51 = tpu.memref_slice %arg2[%add3A_50] : memref<16777216xf32, #tpu.memory_space<hbm>> -> memref<16384xf32, #tpu.memory_space<hbm>>
      %dma_wait3A_52 = tpu.memref_slice %arg2[%add3A_50] : memref<16777216xf32, #tpu.memory_space<hbm>> -> memref<16384xf32, #tpu.memory_space<hbm>>
      tpu.wait_dma2 semaphore(%arg9 : memref<!tpu.dma_semaphore, #tpu.memory_space<semaphore_mem>>) src(%dma_wait3A_52 : memref<16384xf32, #tpu.memory_space<hbm>>) dst(%arg5 : memref<16384xf32, #tpu.memory_space<vmem>>)
      %add3A_53 = arith.constant 1 : i32
      %add3A_54 = arith.addi %scan3A_18, %add3A_53 : i32
      %lt3A = arith.constant 16 : i32
      %lt3A_55 = arith.cmpi slt, %add3A_54, %lt3A : i32
      %convert_element_type3A_56 = arith.extui %lt3A_55 : i1 to i32
      %cond3A_57 = arith.constant 0 : i32
      %cond3A_58 = arith.cmpi ne, %convert_element_type3A_56, %cond3A_57 : i32
      scf.if %cond3A_58 {
        %add3A_77 = arith.constant 2 : i32
        %add3A_78 = arith.addi %mul3A_20, %add3A_77 : i32
        %mul3A_79 = arith.constant 16384 : i32
        %mul3A_80 = arith.muli %add3A_78, %mul3A_79 : i32
        %add3A_81 = arith.addi %mul3A_2, %mul3A_80 : i32
        %dma_start3A_82 = tpu.memref_slice %arg2[%add3A_81] : memref<16777216xf32, #tpu.memory_space<hbm>> -> memref<16384xf32, #tpu.memory_space<hbm>>
        %dma_start3A_83 = tpu.memref_slice %arg2[%add3A_81] : memref<16777216xf32, #tpu.memory_space<hbm>> -> memref<16384xf32, #tpu.memory_space<hbm>>
        tpu.enqueue_dma source(%dma_start3A_83 : memref<16384xf32, #tpu.memory_space<hbm>>) target(%arg4 : memref<16384xf32, #tpu.memory_space<vmem>>) target_semaphore(%arg8 : memref<!tpu.dma_semaphore, #tpu.memory_space<semaphore_mem>>)
      } else {
      }
      %gt3A_59 = arith.constant 0 : i32
      %gt3A_60 = arith.cmpi sgt, %scan3A_18, %gt3A_59 : i32
      %convert_element_type3A_61 = arith.extui %gt3A_60 : i1 to i32
      %cond3A_62 = arith.constant 0 : i32
      %cond3A_63 = arith.cmpi ne, %convert_element_type3A_61, %cond3A_62 : i32
      scf.if %cond3A_63 {
        %add3A_77 = arith.constant 1 : i32
        %add3A_78 = arith.addi %mul3A_20, %add3A_77 : i32
        %mul3A_79 = arith.constant 16384 : i32
        %mul3A_80 = arith.muli %add3A_78, %mul3A_79 : i32
        %add3A_81 = arith.addi %mul3A_2, %mul3A_80 : i32
        %dma_wait3A_82 = tpu.memref_slice %arg3[%add3A_81] : memref<16777216xf32, #tpu.memory_space<hbm>> -> memref<16384xf32, #tpu.memory_space<hbm>>
        %dma_wait3A_83 = tpu.memref_slice %arg3[%add3A_81] : memref<16777216xf32, #tpu.memory_space<hbm>> -> memref<16384xf32, #tpu.memory_space<hbm>>
        tpu.wait_dma2 semaphore(%arg11 : memref<!tpu.dma_semaphore, #tpu.memory_space<semaphore_mem>>) src(%arg7 : memref<16384xf32, #tpu.memory_space<vmem>>) dst(%dma_wait3A_83 : memref<16384xf32, #tpu.memory_space<hbm>>)
      } else {
      }
      %scan3A_64 = arith.constant 0 : i32
      %scan3A_65 = arith.constant 0 : i32
      %scan3A_66 = arith.constant 64 : i32
      %scan3A_67 = arith.addi %scan3A_65, %scan3A_66 : i32
      %scan3A_68 = arith.constant 1 : i32
      scf.for %scan3A_77 = %scan3A_65 to %scan3A_67 step %scan3A_68  : i32 {
        %mul3A_78 = arith.constant 256 : i32
        %mul3A_79 = arith.muli %scan3A_77, %mul3A_78 : i32
        %scan3A_80 = arith.constant 0 : i32
        %scan3A_81 = arith.constant 8 : i32
        %scan3A_82 = arith.addi %scan3A_80, %scan3A_81 : i32
        %scan3A_83 = arith.constant 1 : i32
        scf.for %scan3A_85 = %scan3A_80 to %scan3A_82 step %scan3A_83  : i32 {
          %mul3A_86 = arith.constant 16 : i32
          %mul3A_87 = arith.muli %scan3A_85, %mul3A_86 : i32
          %add3A_88 = arith.addi %mul3A_79, %mul3A_87 : i32
          %get3A = arith.index_cast %add3A_88 : i32 to index
          %get3A_89 = tpu.vector_load %arg5[%get3A] {strides = array<i32>} : memref<16384xf32, #tpu.memory_space<vmem>>, vector<16xf32>,
          %add3A_90 = arith.constant 128 : i32
          %add3A_91 = arith.addi %add3A_88, %add3A_90 : i32
          %get3A_92 = arith.index_cast %add3A_91 : i32 to index
          %get3A_93 = tpu.vector_load %arg5[%get3A_92] {strides = array<i32>} : memref<16384xf32, #tpu.memory_space<vmem>>, vector<16xf32>,
          %mul3A_94 = arith.constant 32 : i32
          %mul3A_95 = arith.muli %scan3A_85, %mul3A_94 : i32
          %add3A_96 = arith.addi %mul3A_79, %mul3A_95 : i32
          %mul3A_97 = arith.constant 2 : i32
          %mul3A_98 = vector.broadcast %mul3A_97 : i32 to vector<16xi32>
          %mul3A_99 = arith.muli %mul3A_98, %iota3A : vector<16xi32>
          %add3A_100 = vector.broadcast %add3A_96 : i32 to vector<16xi32>
          %add3A_101 = arith.addi %add3A_100, %mul3A_99 : vector<16xi32>
          tpu.vector_store_idx %arg7[%add3A_101], %get3A_89 : memref<16384xf32, #tpu.memory_space<vmem>>[vector<16xi32>], vector<16xf32>,
          %add3A_102 = arith.constant 1 : i32
          %add3A_103 = vector.broadcast %add3A_102 : i32 to vector<16xi32>
          %add3A_104 = arith.addi %add3A_101, %add3A_103 : vector<16xi32>
          tpu.vector_store_idx %arg7[%add3A_104], %get3A_93 : memref<16384xf32, #tpu.memory_space<vmem>>[vector<16xi32>], vector<16xf32>,
        }
        %scan3A_84 = arith.constant 8 : i32
      }
      %scan3A_69 = arith.constant 64 : i32
      %add3A_70 = arith.constant 1 : i32
      %add3A_71 = arith.addi %mul3A_20, %add3A_70 : i32
      %mul3A_72 = arith.constant 16384 : i32
      %mul3A_73 = arith.muli %add3A_71, %mul3A_72 : i32
      %add3A_74 = arith.addi %mul3A_2, %mul3A_73 : i32
      %dma_start3A_75 = tpu.memref_slice %arg3[%add3A_74] : memref<16777216xf32, #tpu.memory_space<hbm>> -> memref<16384xf32, #tpu.memory_space<hbm>>
      %dma_start3A_76 = tpu.memref_slice %arg3[%add3A_74] : memref<16777216xf32, #tpu.memory_space<hbm>> -> memref<16384xf32, #tpu.memory_space<hbm>>
      tpu.enqueue_dma source(%arg7 : memref<16384xf32, #tpu.memory_space<vmem>>) target(%dma_start3A_76 : memref<16384xf32, #tpu.memory_space<hbm>>) target_semaphore(%arg11 : memref<!tpu.dma_semaphore, #tpu.memory_space<semaphore_mem>>)
    }
    %scan3A_10 = arith.constant 16 : i32
    %add3A_11 = arith.constant 0 : i32
    %add3A_12 = arith.addi %mul3A_2, %add3A_11 : i32
    %dma_wait3A = tpu.memref_slice %arg3[%add3A_12] : memref<16777216xf32, #tpu.memory_space<hbm>> -> memref<16384xf32, #tpu.memory_space<hbm>>
    %dma_wait3A_13 = tpu.memref_slice %arg3[%add3A_12] : memref<16777216xf32, #tpu.memory_space<hbm>> -> memref<16384xf32, #tpu.memory_space<hbm>>
    tpu.wait_dma2 semaphore(%arg10 : memref<!tpu.dma_semaphore, #tpu.memory_space<semaphore_mem>>) src(%arg6 : memref<16384xf32, #tpu.memory_space<vmem>>) dst(%dma_wait3A_13 : memref<16384xf32, #tpu.memory_space<hbm>>)
    %add3A_14 = arith.constant 0 : i32
    %add3A_15 = arith.addi %mul3A_2, %add3A_14 : i32
    %dma_wait3A_16 = tpu.memref_slice %arg3[%add3A_15] : memref<16777216xf32, #tpu.memory_space<hbm>> -> memref<16384xf32, #tpu.memory_space<hbm>>
    %dma_wait3A_17 = tpu.memref_slice %arg3[%add3A_15] : memref<16777216xf32, #tpu.memory_space<hbm>> -> memref<16384xf32, #tpu.memory_space<hbm>>
    tpu.wait_dma2 semaphore(%arg11 : memref<!tpu.dma_semaphore, #tpu.memory_space<semaphore_mem>>) src(%arg7 : memref<16384xf32, #tpu.memory_space<vmem>>) dst(%dma_wait3A_17 : memref<16384xf32, #tpu.memory_space<hbm>>)
    return
  }
}

</mosaic_0001>

<sc_bundles>
// kernel: _relayout.3.cloned.1.call-start
scs
__scs_entry_jumppad:
0x0: {  	(pc) =	sbr.rel $0x88, $3  }
0x1: {  	(tag) =	ssettag $0x0;
	lr =	simm.s32 $0x1  }
0x2: {  	[smem:$0x3FA0] =	sst lr;
	_ =	strace $0xD0000000  }
0x3: {  	_ = 	snop  }
0x4: {  	_ = 	snop  }
0x5: {  	_ = 	snop  }
0x6: {  	_ = 	snop  }
0x7: {  	_ = 	snop  }
__scs_overlays_trampoline_lowered:
0x8: {  	[smem:$0x3FAF] =	sst s0  }
0x9: {  	[smem:$0x3FB0] =	sst s1  }
0xa: {  	[smem:$0x3FB1] =	sst s2  }
0xb: {  	[smem:$0x3FB2] =	sst s3  }
0xc: {  	[smem:$0x3FB3] =	sst s4  }
0xd: {  	[smem:$0x3FB4] =	sst s5  }
0xe: {  	[smem:$0x3FB5] =	sst s6  }
0xf: {  	[smem:$0x3FB6] =	sst s7  }
0x10: {  	[smem:$0x3FB7] =	sst s8  }
0x11: {  	[smem:$0x3FB8] =	sst s9;
	s0 =	simm.s32 @!p0 $0x0  }
0x12: {  	s1 =	sld [smem:$0x3F9E];
	s0 =	simm.s32 @p0 $0x1  }
0x13: {  	[smem:$0x3FB9] =	sst s0;
	s0 =	simm.s32 @!p1 $0x0  }
0x14: {  	s2 =	sld [smem:$0x3F9D];
	s0 =	simm.s32 @p1 $0x1  }
0x15: {  	[smem:$0x3FBA] =	sst s0;
	s0 =	simm.s32 @!p2 $0x0  }
0x16: {  	s3 =	sld [smem:$0x3FDB];
	s0 =	simm.s32 @p2 $0x1  }
0x17: {  	s4 =	simm.s32 $0x1BF5;
	[smem:$0x3FBC] =	sst s0  }
0x18: {  	s0 =	sld [smem:$0x3F9F];
	_ =	swait.ge [sflag:s4], $0x0  }
0x19: {  	s7 =	sld [smem:$0x3FA0]  }
0x1a: {  	s8 =	sadd.s32 $0xFFFFE003, lr  }
0x1b: {  	s9 =	sadd.s32 $0xFFFFFEF7, lr;
	s5 =	simm.s32 $0xFFFFFFFF;
	p2 =	slt.u32 s8, $0xFFFFF086  }
0x1c: {  	p1 =	slt.u32 s9, $0xF7A;
	s5 =	simm.s32 @!p2 $0x0  }
0x1d: {  	s5 =	simm.s32 @p1 $0x1;
	p0 =	seq.s32 s7, s2  }
0x1e: {  	s7 =	smul.u32 @!p0 $0xF7A, s2;
	p2 =	seq.s32 @!p0 s5, $0x0  }
0x1f: {  	s9 =	smul.u32 $0xF7A, s1;
	s8 =	simm.s32 @!p0 $0x1BF5;
	p2 =	por !p2, p0  }
0x20: {  	[sflag:s8] =	ssyncset.s32 @!p0 $0xFFFFF086;
	s6 =	sadd.s32 @!p0 s3, s7;
	s7 =	simm.s32 @!p0 $0x108  }
0x21: {  	s3 =	sadd.s32 s3, s9;
	s6 =	sadd.s32 @!p0 $0x88, s6;
	s7 =	simm.s32 @p2 $0x1082  }
0x22: {  	[simem:s7], [sflag:s8] =	dma.local @!p0 [hbm:s6], $0xF7A  }
0x23: {  	s9 =	sor.u32 $0xD0000000, s2;
	s6 =	simm.s32 $0x108;
	_ =	swait.ge @!p0 [sflag:s8], $0x0  }
0x24: {  	s3 =	sadd.s32 $0x88, s3;
	s6 =	simm.s32 @!p1 $0x1082;
	[sflag:s4] =	ssyncset.s32 $0xFFFFF086  }
0x25: {  	[simem:s6], [sflag:s4] =	dma.local [hbm:s3], $0xF7A  }
0x26: {  	[smem:$0x3FA0] =	sst s1;
	(tag) =	ssettag s2;
	_ =	strace s9  }
0x27: {  	s1 =	sld [smem:$0x3FB0]  }
0x28: {  	s2 =	sld [smem:$0x3FB1]  }
0x29: {  	s4 =	sld [smem:$0x3FB3]  }
0x2a: {  	p0 =	seq.s32 s5, $0x0;
	s5 =	sld [smem:$0x3FB4]  }
0x2b: {  	s6 =	sld [smem:$0x3FB5]  }
0x2c: {  	s7 =	sld [smem:$0x3FB6]  }
0x2d: {  	s3 =	simm.s32 $0x108;
	s8 =	sld [smem:$0x3FB7]  }
0x2e: {  	s3 =	simm.s32 @!p0 $0x1082;
	s9 =	sld [smem:$0x3FB8]  }
0x2f: {  	lr =	sadd.s32 s0, s3;
	s0 =	sld [smem:$0x3FAF]  }
0x30: {  	s3 =	sld [smem:$0x3FB2]  }
0x31: {  	[smem:$0x3FBB] =	sst s10  }
0x32: {  	s10 =	sld [smem:$0x3FB9];
	_ =	sdelay $0x3  }
0x33: {  	p0 =	seq.s32 s10, $0x1;
	s10 =	sld [smem:$0x3FBB];
	_ =	sdelay $0x3  }
0x34: {  	[smem:$0x3FBB] =	sst s10  }
0x35: {  	s10 =	sld [smem:$0x3FBA];
	_ =	sdelay $0x3  }
0x36: {  	p1 =	seq.s32 s10, $0x1;
	s10 =	sld [smem:$0x3FBB];
	_ =	sdelay $0x3  }
0x37: {  	[smem:$0x3FBB] =	sst s10  }
0x38: {  	s10 =	sld [smem:$0x3FBC]  }
0x39: {  	_ = 	snop;
	(pc) =	sbr.ind lr, $3  }
0x3a: {  	_ = 	snop  }
0x3b: {  	_ = 	snop  }
0x3c: {  	p2 =	seq.s32 s10, $0x1;
	s10 =	sld [smem:$0x3FBB]  }
0x3d: {  	_ =	shalt  }
0x3e: {  	_ =	shalt  }
0x3f: {  	_ =	shalt  }
0x40: {  	_ =	shalt  }
0x41: {  	_ =	shalt  }
0x42: {  	_ =	shalt  }
0x43: {  	_ =	shalt  }
0x44: {  	_ =	shalt  }
0x45: {  	_ =	shalt  }
0x46: {  	_ =	shalt  }
0x47: {  	_ =	shalt  }
0x48: {  	_ =	shalt  }
0x49: {  	_ =	shalt  }
0x4a: {  	_ =	shalt  }
0x4b: {  	_ =	shalt  }
0x4c: {  	_ =	shalt  }
0x4d: {  	_ =	shalt  }
0x4e: {  	_ =	shalt  }
0x4f: {  	_ =	shalt  }
0x50: {  	_ =	shalt  }
0x51: {  	_ =	shalt  }
0x52: {  	_ =	shalt  }
0x53: {  	_ =	shalt  }
0x54: {  	_ =	shalt  }
0x55: {  	_ =	shalt  }
0x56: {  	_ =	shalt  }
0x57: {  	_ =	shalt  }
0x58: {  	_ =	shalt  }
0x59: {  	_ =	shalt  }
0x5a: {  	_ =	shalt  }
0x5b: {  	_ =	shalt  }
0x5c: {  	_ =	shalt  }
0x5d: {  	_ =	shalt  }
0x5e: {  	_ =	shalt  }
0x5f: {  	_ =	shalt  }
0x60: {  	_ =	shalt  }
0x61: {  	_ =	shalt  }
0x62: {  	_ =	shalt  }
0x63: {  	_ =	shalt  }
0x64: {  	_ =	shalt  }
0x65: {  	_ =	shalt  }
0x66: {  	_ =	shalt  }
0x67: {  	_ =	shalt  }
0x68: {  	_ =	shalt  }
0x69: {  	_ =	shalt  }
0x6a: {  	_ =	shalt  }
0x6b: {  	_ =	shalt  }
0x6c: {  	_ =	shalt  }
0x6d: {  	_ =	shalt  }
0x6e: {  	_ =	shalt  }
0x6f: {  	_ =	shalt  }
0x70: {  	_ =	shalt  }
0x71: {  	_ =	shalt  }
0x72: {  	_ =	shalt  }
0x73: {  	_ =	shalt  }
0x74: {  	_ =	shalt  }
0x75: {  	_ =	shalt  }
0x76: {  	_ =	shalt  }
0x77: {  	_ =	shalt  }
0x78: {  	_ =	shalt  }
0x79: {  	_ =	shalt  }
0x7a: {  	_ =	shalt  }
0x7b: {  	_ =	shalt  }
0x7c: {  	_ =	shalt  }
0x7d: {  	_ =	shalt  }
0x7e: {  	_ =	shalt  }
0x7f: {  	_ =	shalt  }
0x80: {  	_ =	shalt  }
0x81: {  	_ =	shalt  }
0x82: {  	_ =	shalt  }
0x83: {  	_ =	shalt  }
0x84: {  	_ =	shalt  }
0x85: {  	_ =	shalt  }
0x86: {  	_ =	shalt  }
0x87: {  	_ =	shalt  }
.Lfunc_end0:
.L_simem_size_0:
called_computation_lowered:
.L_overlay_start_0:
0x88: {  	s2 =	sld [smem:$0x3FD9]  }
0x89: {  	s3 =	sld [smem:$0x3FFE];
	_ =	sdelay $0x1  }
0x8a: {  	s1 =	srdreg.scid  }
0x8b: {  	s0 =	sand.u32 $0x1, s1  }
0x8c: {  	s18 =	sshll.u32 s0, $0xA;
	s2 =	sadd.s32 s3, s2  }
0x8d: {  	s2 =	sadd.s32 s2, s18  }
0x8e: {  	[smem:$0x3FC7] =	sst s2  }
0x8f: {  	_ = 	snop  }
0x90: {  	s2 =	sld [smem:$0x3FC9]  }
0x91: {  	s19 =	sld [smem:$0x3FD0];
	(tm) =	ssettm $0x1  }
0x92: {  	s4 =	sld [smem:$0x3FFB];
	_ =	sdelay $0x3  }
0x93: {  	_ =	strace s4  }
0x94: {  	s4 =	sld [smem:$0x3FFC];
	_ =	sdelay $0x3  }
0x95: {  	_ =	strace s4  }
0x96: {  	s4 =	sld [smem:$0x3FFD];
	_ =	sdelay $0x3  }
0x97: {  	_ =	strace s4  }
0x98: {  	_ =	strace $0x8FFFFFFF  }
0x99: {  	s20 =	sld [smem:$0x3FDB];
	_ =	sdelay $0x1  }
0x9a: {  	s5 =	simm.s32 $_scs_section_size  }
0x9b: {  	s6 =	simm.s32 $_size__tile_overlayer_lowered;
	s7 =	simm.s32 $_tile_overlayer_lowered  }
0x9c: {  	s23 =	simm.s32 $0x1BFF;
	s22 =	sshll.u32 s7, $0x1;
	s4 =	sadd.s32 s5, s20  }
0x9d: {  	s8 =	simm.s32 $0x0;
	s21 =	sshll.u32 s6, $0x1;
	s6 =	sadd.s32 s22, s4  }
0x9e: {  	[timem:s8], [sflag:s23] =	dma.local [hbm:s6], s21  }
0x9f: {  	_ =	swait.ge [sflag:s23], s21  }
0xa0: {  	s5 =	ssub.s32 $0x0, s21;
	[sflag:s23] =	ssyncset.done $0x0  }
0xa1: {  	[sflag:s23] =	ssyncadd.s32 s5;
	_ =	sdelay $0x1  }
0xa2: {  	s24 =	simm.s32 $0x1B8B  }
0xa3: {  	_ =	swait.ge [sflag:s24], $0x1  }
0xa4: {  	[sflag:s24] =	ssyncset.done $0x0  }
0xa5: {  	s25 =	simm.s32 $0x1B8E;
	[sflag:s24] =	ssyncadd.s32 $0xFFFFFFFF  }
0xa6: {  	s26 =	simm.s32 $execute0_lowered;
	[smem:$0x3FD2] =	sst s25  }
0xa7: {  	s5 =	sshll.u32 s26, $0x1;
	_ =	strace $0x80000046;
	[dreg:$0x1] =	wrdreg $0xFFFFFFFF  }
0xa8: {  	s28 =	simm.s32 $_size_execute0_lowered;
	s4 =	sadd.s32 s4, s5;
	[dreg:$0x0] =	wrdreg $0x0  }
0xa9: {  	s5 =	sshll.u32 s28, $0x1;
	[dreg:$0x2] =	wrdreg s4  }
0xaa: {  	[dreg:$0x3] =	wrdreg s5  }
0xab: {  	[dreg:$0x4] =	wrdreg $0xC0  }
0xac: {  	_ =	task [dreg:s8], $0x5FFFF  }
0xad: {  	[dreg:$0x1] =	wrdreg $0xFFFFFFFF  }
0xae: {  	[dreg:$0x0] =	wrdreg $0x60  }
0xaf: {  	[dreg:$0x2] =	wrdreg s2  }
0xb0: {  	[dreg:$0x3] =	wrdreg s19  }
0xb1: {  	[dreg:$0x4] =	wrdreg $0x9  }
0xb2: {  	_ =	task.clear_ibuf [dreg:s8], $0x5FFFF;
	_ =	strace $0x90000046  }
0xb3: {  	s29 =	simm.s32 $0x9;
	_ =	strace $0x80000048  }
0xb4: {  	_ =	swait.ge [sflag:s29], $0x1  }
0xb5: {  	[sflag:s29] =	ssyncadd.s32 $0xFFFFFFFF  }
0xb6: {  	_ =	strace $0x90000048  }
0xb7: {  	_ =	sfence  }
0xb8: {  	s30 =	sld [smem:$0x0];
	_ =	sdelay $0x2  }
0xb9: {  	s31 =	sshll.u32 s1, $0xD;
	s1 =	sshrl.u32 s1, $0x2  }
0xba: {  	s3 =	sand.u32 $0x4000, s31;
	s1 =	sadd.s32 s1, s30  }
0xbb: {  	s0 =	sor.u32 s3, s0;
	s1 =	sshll.u32 s1, $0x11  }
0xbc: {  	s0 =	sor.u32 s1, s0  }
0xbd: {  	s0 =	sadd.s32 $0x8F2B, s0  }
0xbe: {  	[sflag:s0] =	ssyncadd.remote.s32 $0x1  }
0xbf: {  	_ =	sfence.sel $0xFFFF  }
0xc0: {  	[dreg:$0x0] =	wrdreg $0xFFFFFFFF;
	(pc) =	sbr.abs _section_cstart, $3  }
0xc1: {  	[dreg:$0x1] =	wrdreg $0xFFFFFFFF  }
0xc2: {  	_ =	task.clear_ibuf [dreg:s8], $0x2FFFF;
	_ =	strace $0x9FFFFFFF  }
0xc3: {  	(tm) =	ssettm $0x7FFFFFFF  }
tec
execute0_lowered:
.L_overlay_start_1:
0x0: {  	(tag) =	ssettag $0x1  }
0x1: {  	s2 =	rddreg [dreg:$0x0]  }
0x2: {  	s3 =	rddreg [dreg:$0x1];
	s4 =	srdreg.scid  }
0x3: {  	s0 =	rddreg [dreg:$0x2];
	s1 =	stileid.u32;
	s9 =	simm.s32 $0x1  }
0x4: {  	s10 =	simm.s32 $0x4000;
	s11 =	simm.s32 $0x8000;
	s12 =	simm.s32 $0x2  }
0x5: {  	s13 =	simm.s32 $0xC000;
	s14 =	simm.s32 $0x3;
	s15 =	simm.s32 $0x4  }
0x6: {  	v0 =	vlaneseq.u32;
	s16 =	simm.s32 $0x0;
	s5 =	sand.u32 $0x1, s4;
	s4 =	simm.s32 $0x0  }
0x7: {  	s6 =	sshll.u32 s1, $0x14;
	v1 =	vand.u32 $0x3, v0;
	s7 =	sshll.u32 s5, $0x13;
	s8 =	ssub.s32 $0x2, s5  }
0x8: {  	v0 =	vmul.u32 $0x2, v0;
	[smem:$0x7FF] =	sst s4;
	v1 =	vmul.u32 $0x2, v1;
	s5 =	sor.u32 s7, s6;
	s31 =	sshrl.u32 s8, $0x1  }
0x9: {  	_ =	strace $0x80000047;
	s7 =	sshrl.u32 s5, $0x3;
	s8 =	ssub.s32 s8, s31  }
0xa: {  	v2 =	vor.u32 $0x1, v0;
	v1 =	vor.u32 $0xFFFFFFF8, v1;
	s6 =	sadd.s32 s2, s7;
	s7 =	sor.u32 $0x8000, s5;
	s8 =	smax.u32 s8, $0x1  }
.LBB2_1:
0xb: {  	[tilespmem:s4], [sflag:$0x1] =	stream.linear.gather [hbm4b:s6+s4], $0x4000, $0x38;
	[tilespmem:$0x10000] =	vst v63  }
0xc: {  	s17 =	simm.s32 $0x0  }
.LBB2_2:
0xd: {  	s19 =	sshll.u32 s17, $0xF  }
0xe: {  	s18 =	sor.u32 s5, s19  }
0xf: {  	_ =	swait.ge [sflag:s9], $0x4000;
	s20 =	sshrl.u32 s18, $0x3  }
0x10: {  	[sflag:s9] =	ssyncset.done $0x0;
	s18 =	sor.u32 $0x800, s20  }
0x11: {  	p0 =	seq.s32 s17, $0x0;
	[sflag:s9] =	ssyncadd.s32 $0xFFFFC000;
	s21 =	sadd.s32 s2, s18  }
0x12: {  	[tilespmem:s10], [sflag:$0x2] =	stream.linear.gather [hbm4b:s21+s4], $0x4000, $0x38;
	[tilespmem:$0x10000] =	vst v63  }
0x13: {  	s21 =	simm.s32 @!p0 $0x3  }
0x14: {  	_ =	swait.ge @!p0 [sflag:s21], $0x4000  }
0x15: {  	s22 =	simm.s32 $0x0;
	[sflag:s21] =	ssyncset.done @!p0 $0x0  }
0x16: {  	s23 =	simm.s32 $0x0;
	[sflag:s21] =	ssyncadd.s32 @!p0 $0xFFFFC000;
	s21 =	simm.s32 $0x0  }
.LBB2_3:
0x17: {  	v3 =	vmov s22;
	_ =	sdelay $0x3  }
0x18: {  	s26 =	simm.s32 $0x0  }
0x19: {  	v5 =	vor.u32 s21, v0;
	s25 =	simm.s32 $0x40;
	s24 =	smov.u32 s21;
	v4 =	vld.idx.msk [tilespmem:v3+s26+$0x0 ss:$0x1], $0xffff  }
.LBB2_4:
0x1a: {  	p0 =	sne.s32 s25, $0x1C0;
	v6 =	vld.idx.msk [tilespmem:v3+s26+$0x80 ss:$0x1], $0xffff;
	v5 =	vand.u32 v1, v5  }
0x1b: {  	v7 =	vor.u32 s24, v2;
	_ =	sdelay $0x1  }
.Ltmp0:
0x1c: {  	(pc) =	sbr.rel @p0 .LBB2_4-.Ltmp0, $4  }
0x1d: {  	_ = 	snop  }
0x1e: {  	[tilespmem:v5+s11+$0x0] =	vst.idx.msk $0xffff, v4  }
0x1f: {  	s26 =	sshra.s32 s25, $0x2;
	s24 =	sadd.s32 $0x20, s24;
	[tilespmem:v7+s11+$0x0] =	vst.idx.msk $0xffff, v6  }
0x20: {  	s25 =	sadd.s32 $0x40, s25;
	v5 =	vor.u32 s24, v0;
	v4 =	vld.idx.msk [tilespmem:v3+s26+$0x0 ss:$0x1], $0xffff  }
0x21: {  	_ =	sdelay $0x2  }
0x22: {  	v5 =	vand.u32 v1, v5;
	s23 =	sadd.s32 $0x1, s23  }
0x23: {  	v3 =	vld.idx.msk [tilespmem:v3+s26+$0x80 ss:$0x1], $0xffff;
	v6 =	vor.u32 s24, v2;
	p0 =	sne.s32 s23, $0x40  }
.Ltmp1:
0x24: {  	_ = 	snop;
	(pc) =	sbr.rel @p0 .LBB2_3-.Ltmp1, $3  }
0x25: {  	_ =	sdelay $0x1  }
0x26: {  	[tilespmem:v5+s11+$0x0] =	vst.idx.msk $0xffff, v4  }
0x27: {  	s21 =	sadd.s32 $0x100, s21;
	s22 =	sadd.s32 $0x100, s22;
	[tilespmem:v6+s11+$0x0] =	vst.idx.msk $0xffff, v3  }
0x28: {  	s20 =	sadd.s32 s3, s20;
	p0 =	seq.s32 s17, $0xF  }
0x29: {  	[hbm4b:s20+s4] =	stream.linear.scatter [tilespmem:s11], [sflag:$0x3], $0x4000, $0x38;
	[tilespmem:$0x10000] =	vst v63  }
0x2a: {  	s19 =	sadd.s32 @!p0 s19, s7;
	_ =	swait.ge [sflag:s12], $0x4000  }
0x2b: {  	p1 =	seq.s32 @!p0 s17, $0x0;
	s19 =	sshrl.u32 @!p0 s19, $0x3;
	[sflag:s12] =	ssyncset.done $0x0  }
0x2c: {  	s20 =	simm.s32 @!p0 $0x0;
	s19 =	sadd.s32 @!p0 s2, s19;
	[sflag:s12] =	ssyncadd.s32 $0xFFFFC000  }
0x2d: {  	[tilespmem:s20], [sflag:$0x1] =	stream.linear.gather @!p0 [hbm4b:s19+s20], $0x4000, $0x38;
	[tilespmem:$0x10000] =	vst v63  }
0x2e: {  	p0 =	por p0, !p1  }
0x2f: {  	_ =	swait.ge @p0 [sflag:s15], $0x4000  }
0x30: {  	s21 =	simm.s32 $0x0;
	s17 =	sadd.s32 $0x1, s17;
	[sflag:s15] =	ssyncset.done @p0 $0x0  }
0x31: {  	s19 =	simm.s32 $0x0;
	s20 =	simm.s32 $0x4000;
	[sflag:s15] =	ssyncadd.s32 @p0 $0xFFFFC000  }
.LBB2_7:
0x32: {  	v3 =	vmov s20;
	_ =	sdelay $0x3  }
0x33: {  	s24 =	simm.s32 $0x0  }
0x34: {  	v5 =	vor.u32 s19, v0;
	s23 =	simm.s32 $0x40;
	s22 =	smov.u32 s19;
	v4 =	vld.idx.msk [tilespmem:v3+s24+$0x0 ss:$0x1], $0xffff  }
.LBB2_8:
0x35: {  	p0 =	sne.s32 s23, $0x1C0;
	v6 =	vld.idx.msk [tilespmem:v3+s24+$0x80 ss:$0x1], $0xffff;
	v5 =	vand.u32 v1, v5  }
0x36: {  	v7 =	vor.u32 s22, v2;
	_ =	sdelay $0x1  }
.Ltmp2:
0x37: {  	(pc) =	sbr.rel @p0 .LBB2_8-.Ltmp2, $4  }
0x38: {  	_ = 	snop  }
0x39: {  	[tilespmem:v5+s13+$0x0] =	vst.idx.msk $0xffff, v4  }
0x3a: {  	s24 =	sshra.s32 s23, $0x2;
	s22 =	sadd.s32 $0x20, s22;
	[tilespmem:v7+s13+$0x0] =	vst.idx.msk $0xffff, v6  }
0x3b: {  	s23 =	sadd.s32 $0x40, s23;
	v5 =	vor.u32 s22, v0;
	v4 =	vld.idx.msk [tilespmem:v3+s24+$0x0 ss:$0x1], $0xffff  }
0x3c: {  	_ =	sdelay $0x2  }
0x3d: {  	v5 =	vand.u32 v1, v5;
	s21 =	sadd.s32 $0x1, s21  }
0x3e: {  	v3 =	vld.idx.msk [tilespmem:v3+s24+$0x80 ss:$0x1], $0xffff;
	v6 =	vor.u32 s22, v2;
	p0 =	sne.s32 s21, $0x40  }
.Ltmp3:
0x3f: {  	_ = 	snop;
	(pc) =	sbr.rel @p0 .LBB2_7-.Ltmp3, $3  }
0x40: {  	_ =	sdelay $0x1  }
0x41: {  	[tilespmem:v5+s13+$0x0] =	vst.idx.msk $0xffff, v4  }
0x42: {  	s19 =	sadd.s32 $0x100, s19;
	s20 =	sadd.s32 $0x100, s20;
	[tilespmem:v6+s13+$0x0] =	vst.idx.msk $0xffff, v3  }
0x43: {  	p0 =	sne.s32 s17, $0x10  }
.Ltmp4:
0x44: {  	_ = 	snop;
	(pc) =	sbr.rel @p0 .LBB2_2-.Ltmp4, $3  }
0x45: {  	_ =	sdelay $0x1  }
0x46: {  	s18 =	sadd.s32 s3, s18  }
0x47: {  	[hbm4b:s18+s4] =	stream.linear.scatter [tilespmem:s13], [sflag:$0x4], $0x4000, $0x38;
	[tilespmem:$0x10000] =	vst v63  }
0x48: {  	s16 =	sadd.s32 $0x1, s16  }
0x49: {  	_ =	swait.ge [sflag:s14], $0x4000;
	p0 =	sne.s32 s16, s8  }
.Ltmp5:
0x4a: {  	[sflag:s14] =	ssyncset.done $0x0;
	(pc) =	sbr.rel @p0 .LBB2_1-.Ltmp5, $4  }
0x4b: {  	[sflag:s14] =	ssyncadd.s32 $0xFFFFC000  }
0x4c: {  	_ =	swait.ge [sflag:s15], $0x4000  }
0x4d: {  	[sflag:s15] =	ssyncset.done $0x0  }
0x4e: {  	[sflag:s15] =	ssyncadd.s32 $0xFFFFC000  }
0x4f: {  	_ =	sfence.sel $0x180000  }
0x50: {  	[bflag:$0x0] =	sbarrier.arrive $0xFFFF  }
0x51: {  	p0 =	sne.s32 s1, $0x0;
	_ =	strace $0x90000047  }
0x52: {  	s0 =	sadd.s32 @!p0 $0x100000, s0;
	[bflag:$0x2] =	sbarrier.arrive $0xFFFF  }
0x53: {  	[sflag:s0] =	ssyncadd.tile.s32 @!p0 $0x1;
	_ =	shalt  }
.Lfunc_end2:
_tile_overlayer_lowered:
.L_overlay_start_2:
0x54: {  	(tag) =	ssettag $0x2  }
0x55: {  	s0 =	rddreg [dreg:$0x0];
	s2 =	stileid.u32  }
0x56: {  	s1 =	rddreg [dreg:$0x1];
	p0 =	sne.s32 s2, $0x0  }
0x57: {  	s3 =	rddreg [dreg:$0x2];
	[bflag:$0x3] =	sbarrier.arrive $0xFFFF;
	s2 =	simm.s32 @!p0 $0x1C05  }
0x58: {  	[timem:s3], [sflag:s2] =	dma.local @!p0 [hbm:s0], s1  }
0x59: {  	s0 =	simm.s32 @!p0 $0x5  }
0x5a: {  	_ =	swait.ge @!p0 [sflag:s0], s1  }
0x5b: {  	s1 =	ssub.s32 @!p0 $0x0, s1;
	[sflag:s0] =	ssyncset.done @!p0 $0x0  }
0x5c: {  	[sflag:s0] =	ssyncadd.s32 @!p0 s1  }
0x5d: {  	[bflag:$0x3] =	sbarrier.arrive $0xFFFF  }
0x5e: {  	_ =	shalt  }

</sc_bundles>
